<compile_context>
chip_gen: v7x
topology: tpu7x:2x2x1
jax: 0.10.2.dev20260603
libtpu: 0.0.44.dev20260713+nightly
codegen_flags: <defaults>
</compile_context>

<pallas_src>
import functools

import jax
import jax.numpy as jnp
from jax import lax
from jax.experimental import pallas as pl
from jax.experimental.pallas import tpu as pltpu
from jax.experimental.pallas import tpu_sc as plsc

WINDOW = 128
NUM_CORES = 2
NUM_SUBCORES = 16
NUM_WORKERS = NUM_CORES * NUM_SUBCORES

PACK_LANES = 16384


def _pack_body(wt_ref, out_ref, tmp_ref):
    tmp_ref[...] = jnp.swapaxes(wt_ref[...], 0, 1)
    for a in range(4):
        out_ref[:, 32 * a : 32 * (a + 1)] = tmp_ref[
            pl.Slice(a, PACK_LANES // 4, 4), :
        ]


def _unpack_body(x_ref, o_ref):
    x = x_ref[...]
    y = jnp.swapaxes(x, 0, 1)
    o_ref[...] = y.reshape(o_ref.shape)


def kernel(weights, indices):
    vocab, embed_dim = weights.shape
    batch, hist_len = indices.shape
    num_idx = batch * hist_len
    n_win = num_idx // WINDOW
    wpw = n_win // NUM_WORKERS
    ipw = wpw * WINDOW

    flat_idx = indices.reshape(num_idx)

    wt = weights.T
    n_pack = (vocab + PACK_LANES - 1) // PACK_LANES
    packed = pl.pallas_call(
        _pack_body,
        grid=(n_pack,),
        in_specs=[pl.BlockSpec((embed_dim, PACK_LANES), lambda i: (0, i))],
        out_specs=pl.BlockSpec((PACK_LANES // 4, 128), lambda i: (i, 0)),
        out_shape=jax.ShapeDtypeStruct((vocab // 4, 128), weights.dtype),
        scratch_shapes=[pltpu.VMEM((PACK_LANES, embed_dim), weights.dtype)],
    )(wt)
    w_lin = packed.reshape(vocab, embed_dim)

    mesh = plsc.VectorSubcoreMesh(core_axis_name="c", subcore_axis_name="s")

    @functools.partial(
        pl.kernel,
        mesh=mesh,
        compiler_params=pltpu.CompilerParams(use_tc_tiling_on_sc=False),
        out_type=jax.ShapeDtypeStruct((num_idx, embed_dim), weights.dtype),
        scratch_types=[
            pltpu.VMEM((ipw,), jnp.int32),
            pltpu.VMEM((WINDOW, embed_dim), jnp.float32),
            pltpu.VMEM((WINDOW, embed_dim), jnp.float32),
            pltpu.SemaphoreType.DMA,
            pltpu.SemaphoreType.DMA,
            pltpu.SemaphoreType.DMA,
            pltpu.SemaphoreType.DMA,
        ],
    )
    def gather_kernel(
        table_hbm, idx_hbm, out_hbm, idx_v, rows_a, rows_b, ga_s, gb_s, oa_s, ob_s
    ):
        wid = lax.axis_index("s") * NUM_CORES + lax.axis_index("c")
        base = wid * ipw
        pltpu.sync_copy(idx_hbm.at[pl.ds(base, ipw)], idx_v)

        @pl.loop(0, wpw, step=2)
        def _(j):
            @pl.when(j > 0)
            def _():
                pltpu.make_async_copy(
                    rows_a, out_hbm.at[pl.ds(base, WINDOW)], oa_s
                ).wait()
                pltpu.make_async_copy(
                    rows_b, out_hbm.at[pl.ds(base, WINDOW)], ob_s
                ).wait()

            ga = pltpu.async_copy(
                table_hbm.at[idx_v.at[pl.ds(j * WINDOW, WINDOW)]], rows_a, ga_s
            )
            gb = pltpu.async_copy(
                table_hbm.at[idx_v.at[pl.ds((j + 1) * WINDOW, WINDOW)]],
                rows_b,
                gb_s,
            )
            ga.wait()
            pltpu.async_copy(
                rows_a, out_hbm.at[pl.ds(base + j * WINDOW, WINDOW)], oa_s
            )
            gb.wait()
            pltpu.async_copy(
                rows_b, out_hbm.at[pl.ds(base + (j + 1) * WINDOW, WINDOW)], ob_s
            )

        pltpu.make_async_copy(rows_a, out_hbm.at[pl.ds(base, WINDOW)], oa_s).wait()
        pltpu.make_async_copy(rows_b, out_hbm.at[pl.ds(base, WINDOW)], ob_s).wait()

    out = gather_kernel(w_lin, flat_idx)

    row = hist_len * embed_dim
    xb = out.reshape(batch, row)
    ot = pl.pallas_call(
        _unpack_body,
        grid=(batch // 128,),
        in_specs=[pl.BlockSpec((128, row), lambda i: (i, 0))],
        out_specs=pl.BlockSpec((hist_len, embed_dim, 128), lambda i: (0, 0, i)),
        out_shape=jax.ShapeDtypeStruct((hist_len, embed_dim, batch), weights.dtype),
    )(xb)
    return jnp.transpose(ot, (2, 0, 1))

# --- scband reference (transcript-rebuilt; emitter-appended) ---
"""Pipeline reference for scband-gensim-model-77644418777219 (READ-ONLY COPY).

The authoritative reference and input builder live on the scoring server;
editing this copy changes nothing except your own understanding.
"""

import jax, jax.numpy as jnp
import numpy as np

VOCAB = 1000000
EMBED_DIM = 32
BATCH = 16384
HIST_LEN = 20


def setup_inputs(seed: int = 0) -> dict:
    key = jax.random.key(seed)
    k1, k2 = jax.random.split(key)
    # Learned parameter: the gensim word-vector table (model.wv.vectors)
    weights = jax.random.normal(k1, (VOCAB, EMBED_DIM), dtype=jnp.float32)
    # Word indices to look up (batch of histories)
    indices = jax.random.randint(k2, (BATCH, HIST_LEN), 0, VOCAB, dtype=jnp.int32)
    return {"weights": weights, "indices": indices}


def reference(weights, indices):
    # Faithful translation of the (repaired) forward: model.wv[word] is a row
    # gather from the word-vector matrix. Original code reshaped a single
    # lookup to (1, -1); here we gather a batch of indices, which is the same
    # op vectorized: out[b, l] = weights[indices[b, l]].
    word_embeds = jnp.take(weights, indices, axis=0)
    return word_embeds

if __name__ == "__main__":
    import jax
    _d = setup_inputs()
    print(jax.jit(kernel)(*tuple(_d.values())))

</pallas_src>

<mosaic_0001>
#map = affine_map<(d0, d1) -> (0, 0)>
#map1 = affine_map<(d0, d1) -> (0)>
module attributes {stable_mosaic.version = 14 : i64} {
  func.func @gather_kernel(%arg0: i32, %arg1: i32, %arg2: memref<1000000x32xf32, #tpu.memory_space<hbm>>, %arg3: memref<327680xi32, #tpu.memory_space<hbm>>, %arg4: memref<327680x32xf32, #tpu.memory_space<hbm>>, %arg5: memref<10240xi32, #tpu.memory_space<vmem>>, %arg6: memref<128x32xf32, #tpu.memory_space<vmem>>, %arg7: memref<128x32xf32, #tpu.memory_space<vmem>>, %arg8: memref<!tpu.dma_semaphore, #tpu.memory_space<semaphore_mem>>, %arg9: memref<!tpu.dma_semaphore, #tpu.memory_space<semaphore_mem>>, %arg10: memref<!tpu.dma_semaphore, #tpu.memory_space<semaphore_mem>>, %arg11: memref<!tpu.dma_semaphore, #tpu.memory_space<semaphore_mem>>) attributes {dimension_semantics = [#tpu.dimension_semantics<core_parallel>, #tpu.dimension_semantics<subcore_parallel>], iteration_bounds = array<i64: 2, 16>, scalar_prefetch = 0 : i64, scratch_operands = 7 : i64, tpu.core_type = #tpu.core_type<sc_vector_subcore>, window_params = [{transform_indices = #map}, {transform_indices = #map1}, {transform_indices = #map}]} {
    %mul3A = arith.constant 2 : i32
    %mul3A_0 = arith.muli %arg1, %mul3A : i32
    %add3A = arith.addi %mul3A_0, %arg0 : i32
    %mul3A_1 = arith.constant 10240 : i32
    %mul3A_2 = arith.muli %add3A, %mul3A_1 : i32
    "tpu.region"() ({
      %run_scoped3A = tpu.sem_alloc : memref<!tpu.dma_semaphore, #tpu.memory_space<semaphore_mem>>
      %dma_start3A = tpu.memref_slice %arg3[%mul3A_2] : memref<327680xi32, #tpu.memory_space<hbm>> -> memref<10240xi32, #tpu.memory_space<hbm>>
      %dma_start3A_14 = tpu.memref_slice %arg3[%mul3A_2] : memref<327680xi32, #tpu.memory_space<hbm>> -> memref<10240xi32, #tpu.memory_space<hbm>>
      tpu.enqueue_dma source(%dma_start3A_14 : memref<10240xi32, #tpu.memory_space<hbm>>) target(%arg5 : memref<10240xi32, #tpu.memory_space<vmem>>) target_semaphore(%run_scoped3A : memref<!tpu.dma_semaphore, #tpu.memory_space<semaphore_mem>>)
      %dma_wait3A_15 = tpu.memref_slice %arg3[%mul3A_2] : memref<327680xi32, #tpu.memory_space<hbm>> -> memref<10240xi32, #tpu.memory_space<hbm>>
      %dma_wait3A_16 = tpu.memref_slice %arg3[%mul3A_2] : memref<327680xi32, #tpu.memory_space<hbm>> -> memref<10240xi32, #tpu.memory_space<hbm>>
      tpu.wait_dma2 semaphore(%run_scoped3A : memref<!tpu.dma_semaphore, #tpu.memory_space<semaphore_mem>>) src(%dma_wait3A_16 : memref<10240xi32, #tpu.memory_space<hbm>>) dst(%arg5 : memref<10240xi32, #tpu.memory_space<vmem>>)
      tpu.yield
    }) : () -> ()
    %scan3A = arith.constant 0 : i32
    %scan3A_3 = arith.constant 40 : i32
    %scan3A_4 = arith.addi %scan3A, %scan3A_3 : i32
    %scan3A_5 = arith.constant 1 : i32
    scf.for %scan3A_14 = %scan3A to %scan3A_4 step %scan3A_5  : i32 {
      %mul3A_15 = arith.constant 2 : i32
      %mul3A_16 = arith.muli %scan3A_14, %mul3A_15 : i32
      %add3A_17 = arith.constant 0 : i32
      %add3A_18 = arith.addi %add3A_17, %mul3A_16 : i32
      %gt3A = arith.constant 0 : i32
      %gt3A_19 = arith.cmpi sgt, %add3A_18, %gt3A : i32
      %convert_element_type3A = arith.extui %gt3A_19 : i1 to i32
      %cond3A = arith.constant 0 : i32
      %cond3A_20 = arith.cmpi ne, %convert_element_type3A, %cond3A : i32
      scf.if %cond3A_20 {
        %dma_wait3A_58 = arith.constant 0 : i32
        %dma_wait3A_59 = tpu.memref_slice %arg4[%mul3A_2, %dma_wait3A_58] : memref<327680x32xf32, #tpu.memory_space<hbm>> -> memref<128x32xf32, #tpu.memory_space<hbm>>
        %dma_wait3A_60 = arith.constant 0 : i32
        %dma_wait3A_61 = tpu.memref_slice %arg4[%mul3A_2, %dma_wait3A_60] : memref<327680x32xf32, #tpu.memory_space<hbm>> -> memref<128x32xf32, #tpu.memory_space<hbm>>
        tpu.wait_dma2 semaphore(%arg10 : memref<!tpu.dma_semaphore, #tpu.memory_space<semaphore_mem>>) src(%arg6 : memref<128x32xf32, #tpu.memory_space<vmem>>) dst(%dma_wait3A_61 : memref<128x32xf32, #tpu.memory_space<hbm>>)
        %dma_wait3A_62 = arith.constant 0 : i32
        %dma_wait3A_63 = tpu.memref_slice %arg4[%mul3A_2, %dma_wait3A_62] : memref<327680x32xf32, #tpu.memory_space<hbm>> -> memref<128x32xf32, #tpu.memory_space<hbm>>
        %dma_wait3A_64 = arith.constant 0 : i32
        %dma_wait3A_65 = tpu.memref_slice %arg4[%mul3A_2, %dma_wait3A_64] : memref<327680x32xf32, #tpu.memory_space<hbm>> -> memref<128x32xf32, #tpu.memory_space<hbm>>
        tpu.wait_dma2 semaphore(%arg11 : memref<!tpu.dma_semaphore, #tpu.memory_space<semaphore_mem>>) src(%arg7 : memref<128x32xf32, #tpu.memory_space<vmem>>) dst(%dma_wait3A_65 : memref<128x32xf32, #tpu.memory_space<hbm>>)
      } else {
      }
      %mul3A_21 = arith.constant 128 : i32
      %mul3A_22 = arith.muli %add3A_18, %mul3A_21 : i32
      %dma_start3A = tpu.memref_slice %arg5[%mul3A_22] : memref<10240xi32, #tpu.memory_space<vmem>> -> memref<128xi32, #tpu.memory_space<vmem>>
      %dma_start3A_23 = arith.constant 0 : i32
      %dma_start3A_24 = arith.constant 0 : i32
      %dma_start3A_25 = tpu.memref_slice %arg2[%dma_start3A_23, %dma_start3A_24] : memref<1000000x32xf32, #tpu.memory_space<hbm>> -> memref<1000000x32xf32, #tpu.memory_space<hbm>>
      tpu.enqueue_indirect_dma source(%dma_start3A_25 : memref<1000000x32xf32, #tpu.memory_space<hbm>>) target(%arg6 : memref<128x32xf32, #tpu.memory_space<vmem>>) offsets(%dma_start3A : memref<128xi32, #tpu.memory_space<vmem>>) semaphore(%arg8 : memref<!tpu.dma_semaphore, #tpu.memory_space<semaphore_mem>>)
      %add3A_26 = arith.constant 1 : i32
      %add3A_27 = arith.addi %add3A_18, %add3A_26 : i32
      %mul3A_28 = arith.constant 128 : i32
      %mul3A_29 = arith.muli %add3A_27, %mul3A_28 : i32
      %dma_start3A_30 = tpu.memref_slice %arg5[%mul3A_29] : memref<10240xi32, #tpu.memory_space<vmem>> -> memref<128xi32, #tpu.memory_space<vmem>>
      %dma_start3A_31 = arith.constant 0 : i32
      %dma_start3A_32 = arith.constant 0 : i32
      %dma_start3A_33 = tpu.memref_slice %arg2[%dma_start3A_31, %dma_start3A_32] : memref<1000000x32xf32, #tpu.memory_space<hbm>> -> memref<1000000x32xf32, #tpu.memory_space<hbm>>
      tpu.enqueue_indirect_dma source(%dma_start3A_33 : memref<1000000x32xf32, #tpu.memory_space<hbm>>) target(%arg7 : memref<128x32xf32, #tpu.memory_space<vmem>>) offsets(%dma_start3A_30 : memref<128xi32, #tpu.memory_space<vmem>>) semaphore(%arg9 : memref<!tpu.dma_semaphore, #tpu.memory_space<semaphore_mem>>)
      %dma_wait3A_34 = tpu.memref_slice %arg5[%mul3A_22] : memref<10240xi32, #tpu.memory_space<vmem>> -> memref<128xi32, #tpu.memory_space<vmem>>
      %dma_wait3A_35 = arith.constant 0 : i32
      %dma_wait3A_36 = arith.constant 0 : i32
      %dma_wait3A_37 = tpu.memref_slice %arg2[%dma_wait3A_35, %dma_wait3A_36] : memref<1000000x32xf32, #tpu.memory_space<hbm>> -> memref<1000000x32xf32, #tpu.memory_space<hbm>>
      tpu.wait_indirect_dma semaphore(%arg8 : memref<!tpu.dma_semaphore, #tpu.memory_space<semaphore_mem>>) src(%dma_wait3A_37 : memref<1000000x32xf32, #tpu.memory_space<hbm>>) dst(%arg6 : memref<128x32xf32, #tpu.memory_space<vmem>>)
      %mul3A_38 = arith.constant 128 : i32
      %mul3A_39 = arith.muli %add3A_18, %mul3A_38 : i32
      %add3A_40 = arith.addi %mul3A_2, %mul3A_39 : i32
      %dma_start3A_41 = arith.constant 0 : i32
      %dma_start3A_42 = tpu.memref_slice %arg4[%add3A_40, %dma_start3A_41] : memref<327680x32xf32, #tpu.memory_space<hbm>> -> memref<128x32xf32, #tpu.memory_space<hbm>>
      %dma_start3A_43 = arith.constant 0 : i32
      %dma_start3A_44 = tpu.memref_slice %arg4[%add3A_40, %dma_start3A_43] : memref<327680x32xf32, #tpu.memory_space<hbm>> -> memref<128x32xf32, #tpu.memory_space<hbm>>
      tpu.enqueue_dma source(%arg6 : memref<128x32xf32, #tpu.memory_space<vmem>>) target(%dma_start3A_44 : memref<128x32xf32, #tpu.memory_space<hbm>>) target_semaphore(%arg10 : memref<!tpu.dma_semaphore, #tpu.memory_space<semaphore_mem>>)
      %dma_wait3A_45 = tpu.memref_slice %arg5[%mul3A_29] : memref<10240xi32, #tpu.memory_space<vmem>> -> memref<128xi32, #tpu.memory_space<vmem>>
      %dma_wait3A_46 = arith.constant 0 : i32
      %dma_wait3A_47 = arith.constant 0 : i32
      %dma_wait3A_48 = tpu.memref_slice %arg2[%dma_wait3A_46, %dma_wait3A_47] : memref<1000000x32xf32, #tpu.memory_space<hbm>> -> memref<1000000x32xf32, #tpu.memory_space<hbm>>
      tpu.wait_indirect_dma semaphore(%arg9 : memref<!tpu.dma_semaphore, #tpu.memory_space<semaphore_mem>>) src(%dma_wait3A_48 : memref<1000000x32xf32, #tpu.memory_space<hbm>>) dst(%arg7 : memref<128x32xf32, #tpu.memory_space<vmem>>)
      %add3A_49 = arith.constant 1 : i32
      %add3A_50 = arith.addi %add3A_18, %add3A_49 : i32
      %mul3A_51 = arith.constant 128 : i32
      %mul3A_52 = arith.muli %add3A_50, %mul3A_51 : i32
      %add3A_53 = arith.addi %mul3A_2, %mul3A_52 : i32
      %dma_start3A_54 = arith.constant 0 : i32
      %dma_start3A_55 = tpu.memref_slice %arg4[%add3A_53, %dma_start3A_54] : memref<327680x32xf32, #tpu.memory_space<hbm>> -> memref<128x32xf32, #tpu.memory_space<hbm>>
      %dma_start3A_56 = arith.constant 0 : i32
      %dma_start3A_57 = tpu.memref_slice %arg4[%add3A_53, %dma_start3A_56] : memref<327680x32xf32, #tpu.memory_space<hbm>> -> memref<128x32xf32, #tpu.memory_space<hbm>>
      tpu.enqueue_dma source(%arg7 : memref<128x32xf32, #tpu.memory_space<vmem>>) target(%dma_start3A_57 : memref<128x32xf32, #tpu.memory_space<hbm>>) target_semaphore(%arg11 : memref<!tpu.dma_semaphore, #tpu.memory_space<semaphore_mem>>)
    }
    %scan3A_6 = arith.constant 40 : i32
    %dma_wait3A = arith.constant 0 : i32
    %dma_wait3A_7 = tpu.memref_slice %arg4[%mul3A_2, %dma_wait3A] : memref<327680x32xf32, #tpu.memory_space<hbm>> -> memref<128x32xf32, #tpu.memory_space<hbm>>
    %dma_wait3A_8 = arith.constant 0 : i32
    %dma_wait3A_9 = tpu.memref_slice %arg4[%mul3A_2, %dma_wait3A_8] : memref<327680x32xf32, #tpu.memory_space<hbm>> -> memref<128x32xf32, #tpu.memory_space<hbm>>
    tpu.wait_dma2 semaphore(%arg10 : memref<!tpu.dma_semaphore, #tpu.memory_space<semaphore_mem>>) src(%arg6 : memref<128x32xf32, #tpu.memory_space<vmem>>) dst(%dma_wait3A_9 : memref<128x32xf32, #tpu.memory_space<hbm>>)
    %dma_wait3A_10 = arith.constant 0 : i32
    %dma_wait3A_11 = tpu.memref_slice %arg4[%mul3A_2, %dma_wait3A_10] : memref<327680x32xf32, #tpu.memory_space<hbm>> -> memref<128x32xf32, #tpu.memory_space<hbm>>
    %dma_wait3A_12 = arith.constant 0 : i32
    %dma_wait3A_13 = tpu.memref_slice %arg4[%mul3A_2, %dma_wait3A_12] : memref<327680x32xf32, #tpu.memory_space<hbm>> -> memref<128x32xf32, #tpu.memory_space<hbm>>
    tpu.wait_dma2 semaphore(%arg11 : memref<!tpu.dma_semaphore, #tpu.memory_space<semaphore_mem>>) src(%arg7 : memref<128x32xf32, #tpu.memory_space<vmem>>) dst(%dma_wait3A_13 : memref<128x32xf32, #tpu.memory_space<hbm>>)
    return
  }
}

module attributes {stable_mosaic.version = 14 : i64} {
  func.func @_pack_body(%arg0: i32, %arg1: memref<32x16384xf32, #tpu.memory_space<vmem>>, %arg2: memref<4096x128xf32, #tpu.memory_space<vmem>>, %arg3: memref<16384x32xf32, #tpu.memory_space<vmem>>) attributes {dimension_semantics = [#tpu.dimension_semantics<arbitrary>], iteration_bounds = array<i64: 62>, scalar_prefetch = 0 : i64, scratch_operands = 1 : i64, tpu.core_type = #tpu.core_type<tc>, window_params = [{transform_indices = @transform_0, window_bounds = array<i64: 32, 16384>}, {transform_indices = @transform_1, window_bounds = array<i64: 4096, 128>}]} {
    %get3A = arith.constant 0 : index
    %get3A_0 = arith.constant 0 : index
    %get3A_1 = vector.load %arg1[%get3A, %get3A_0] : memref<32x16384xf32, #tpu.memory_space<vmem>>, vector<32x16384xf32>
    %transpose3A = tpu.transpose %get3A_1, [1, 0] : vector<32x16384xf32> -> vector<16384x32xf32>
    %swap3A = arith.constant 0 : index
    %swap3A_2 = arith.constant 0 : index
    %swap3A_3 = vector.load %arg3[%swap3A, %swap3A_2] : memref<16384x32xf32, #tpu.memory_space<vmem>>, vector<16384x32xf32>
    tpu.vector_store %arg3[%swap3A, %swap3A_2], %transpose3A {strides = array<i32>} : memref<16384x32xf32, #tpu.memory_space<vmem>>, vector<16384x32xf32>,
    %get3A_4 = arith.constant 0 : index
    %get3A_5 = arith.constant 0 : index
    %get3A_6 = tpu.strided_load %arg3[%get3A_4, %get3A_5] {strides = array<i32: 4, 1>} : memref<16384x32xf32, #tpu.memory_space<vmem>>, vector<4096x32xf32>
    %swap3A_7 = arith.constant 0 : index
    %swap3A_8 = arith.constant 0 : index
    %swap3A_9 = vector.load %arg2[%swap3A_7, %swap3A_8] : memref<4096x128xf32, #tpu.memory_space<vmem>>, vector<4096x32xf32>
    tpu.vector_store %arg2[%swap3A_7, %swap3A_8], %get3A_6 {strides = array<i32>} : memref<4096x128xf32, #tpu.memory_space<vmem>>, vector<4096x32xf32>,
    %get3A_10 = arith.constant 1 : index
    %get3A_11 = arith.constant 0 : index
    %get3A_12 = tpu.strided_load %arg3[%get3A_10, %get3A_11] {strides = array<i32: 4, 1>} : memref<16384x32xf32, #tpu.memory_space<vmem>>, vector<4096x32xf32>
    %swap3A_13 = arith.constant 0 : index
    %swap3A_14 = arith.constant 32 : index
    %swap3A_15 = vector.load %arg2[%swap3A_13, %swap3A_14] : memref<4096x128xf32, #tpu.memory_space<vmem>>, vector<4096x32xf32>
    tpu.vector_store %arg2[%swap3A_13, %swap3A_14], %get3A_12 {strides = array<i32>} : memref<4096x128xf32, #tpu.memory_space<vmem>>, vector<4096x32xf32>,
    %get3A_16 = arith.constant 2 : index
    %get3A_17 = arith.constant 0 : index
    %get3A_18 = tpu.strided_load %arg3[%get3A_16, %get3A_17] {strides = array<i32: 4, 1>} : memref<16384x32xf32, #tpu.memory_space<vmem>>, vector<4096x32xf32>
    %swap3A_19 = arith.constant 0 : index
    %swap3A_20 = arith.constant 64 : index
    %swap3A_21 = vector.load %arg2[%swap3A_19, %swap3A_20] : memref<4096x128xf32, #tpu.memory_space<vmem>>, vector<4096x32xf32>
    tpu.vector_store %arg2[%swap3A_19, %swap3A_20], %get3A_18 {strides = array<i32>} : memref<4096x128xf32, #tpu.memory_space<vmem>>, vector<4096x32xf32>,
    %get3A_22 = arith.constant 3 : index
    %get3A_23 = arith.constant 0 : index
    %get3A_24 = tpu.strided_load %arg3[%get3A_22, %get3A_23] {strides = array<i32: 4, 1>} : memref<16384x32xf32, #tpu.memory_space<vmem>>, vector<4096x32xf32>
    %swap3A_25 = arith.constant 0 : index
    %swap3A_26 = arith.constant 96 : index
    %swap3A_27 = vector.load %arg2[%swap3A_25, %swap3A_26] : memref<4096x128xf32, #tpu.memory_space<vmem>>, vector<4096x32xf32>
    tpu.vector_store %arg2[%swap3A_25, %swap3A_26], %get3A_24 {strides = array<i32>} : memref<4096x128xf32, #tpu.memory_space<vmem>>, vector<4096x32xf32>,
    return
  }
  func.func @transform_0(%arg0: i32) -> (i32, i32) {
    %c0_i32 = arith.constant 0 : i32
    %c0_i32_0 = arith.constant 0 : i32
    return %c0_i32, %arg0 : i32, i32
  }
  func.func @transform_1(%arg0: i32) -> (i32, i32) {
    %c0_i32 = arith.constant 0 : i32
    %c0_i32_0 = arith.constant 0 : i32
    return %arg0, %c0_i32 : i32, i32
  }
}

module attributes {stable_mosaic.version = 14 : i64} {
  func.func @_unpack_body(%arg0: i32, %arg1: memref<128x640xf32, #tpu.memory_space<vmem>>, %arg2: memref<20x32x128xf32, #tpu.memory_space<vmem>>) attributes {dimension_semantics = [#tpu.dimension_semantics<arbitrary>], iteration_bounds = array<i64: 128>, scalar_prefetch = 0 : i64, scratch_operands = 0 : i64, tpu.core_type = #tpu.core_type<tc>, window_params = [{transform_indices = @transform_0, window_bounds = array<i64: 128, 640>}, {transform_indices = @transform_1, window_bounds = array<i64: 20, 32, 128>}]} {
    %get3A = arith.constant 0 : index
    %get3A_0 = arith.constant 0 : index
    %get3A_1 = vector.load %arg1[%get3A, %get3A_0] : memref<128x640xf32, #tpu.memory_space<vmem>>, vector<128x640xf32>
    %transpose3A = tpu.transpose %get3A_1, [1, 0] : vector<128x640xf32> -> vector<640x128xf32>
    %reshape3A = vector.shape_cast %transpose3A : vector<640x128xf32> to vector<20x32x128xf32>
    %swap3A = arith.constant 0 : index
    %swap3A_2 = arith.constant 0 : index
    %swap3A_3 = arith.constant 0 : index
    %swap3A_4 = vector.load %arg2[%swap3A, %swap3A_2, %swap3A_3] : memref<20x32x128xf32, #tpu.memory_space<vmem>>, vector<20x32x128xf32>
    tpu.vector_store %arg2[%swap3A, %swap3A_2, %swap3A_3], %reshape3A {strides = array<i32>} : memref<20x32x128xf32, #tpu.memory_space<vmem>>, vector<20x32x128xf32>,
    return
  }
  func.func @transform_0(%arg0: i32) -> (i32, i32) {
    %c0_i32 = arith.constant 0 : i32
    %c0_i32_0 = arith.constant 0 : i32
    return %arg0, %c0_i32 : i32, i32
  }
  func.func @transform_1(%arg0: i32) -> (i32, i32, i32) {
    %c0_i32 = arith.constant 0 : i32
    %c0_i32_0 = arith.constant 0 : i32
    %c0_i32_1 = arith.constant 0 : i32
    return %c0_i32, %c0_i32_0, %arg0 : i32, i32, i32
  }
}

</mosaic_0001>

<sc_bundles>
// kernel: kernel.5.cloned.1.call-start
scs
__scs_entry_jumppad:
0x0: {  	(pc) =	sbr.rel $0x88, $3  }
0x1: {  	(tag) =	ssettag $0x0;
	lr =	simm.s32 $0x1  }
0x2: {  	[smem:$0x3F9F] =	sst lr;
	_ =	strace $0xD0000000  }
0x3: {  	_ = 	snop  }
0x4: {  	_ = 	snop  }
0x5: {  	_ = 	snop  }
0x6: {  	_ = 	snop  }
0x7: {  	_ = 	snop  }
__scs_overlays_trampoline_lowered:
0x8: {  	[smem:$0x3FAE] =	sst s0  }
0x9: {  	[smem:$0x3FAF] =	sst s1  }
0xa: {  	[smem:$0x3FB0] =	sst s2  }
0xb: {  	[smem:$0x3FB1] =	sst s3  }
0xc: {  	[smem:$0x3FB2] =	sst s4  }
0xd: {  	[smem:$0x3FB3] =	sst s5  }
0xe: {  	[smem:$0x3FB4] =	sst s6  }
0xf: {  	[smem:$0x3FB5] =	sst s7  }
0x10: {  	[smem:$0x3FB6] =	sst s8  }
0x11: {  	[smem:$0x3FB7] =	sst s9;
	s0 =	simm.s32 @!p0 $0x0  }
0x12: {  	s1 =	sld [smem:$0x3F9D];
	s0 =	simm.s32 @p0 $0x1  }
0x13: {  	[smem:$0x3FB8] =	sst s0;
	s0 =	simm.s32 @!p1 $0x0  }
0x14: {  	s2 =	sld [smem:$0x3F9C];
	s0 =	simm.s32 @p1 $0x1  }
0x15: {  	[smem:$0x3FB9] =	sst s0;
	s0 =	simm.s32 @!p2 $0x0  }
0x16: {  	s3 =	sld [smem:$0x3FDB];
	s0 =	simm.s32 @p2 $0x1  }
0x17: {  	s4 =	simm.s32 $0x1BF5;
	[smem:$0x3FBB] =	sst s0  }
0x18: {  	s0 =	sld [smem:$0x3F9E];
	_ =	swait.ge [sflag:s4], $0x0  }
0x19: {  	s7 =	sld [smem:$0x3F9F]  }
0x1a: {  	s8 =	sadd.s32 $0xFFFFE003, lr  }
0x1b: {  	s9 =	sadd.s32 $0xFFFFFEF7, lr;
	s5 =	simm.s32 $0xFFFFFFFF;
	p2 =	slt.u32 s8, $0xFFFFF086  }
0x1c: {  	p1 =	slt.u32 s9, $0xF7A;
	s5 =	simm.s32 @!p2 $0x0  }
0x1d: {  	s5 =	simm.s32 @p1 $0x1;
	p0 =	seq.s32 s7, s2  }
0x1e: {  	s7 =	smul.u32 @!p0 $0xF7A, s2;
	p2 =	seq.s32 @!p0 s5, $0x0  }
0x1f: {  	s9 =	smul.u32 $0xF7A, s1;
	s8 =	simm.s32 @!p0 $0x1BF5;
	p2 =	por !p2, p0  }
0x20: {  	[sflag:s8] =	ssyncset.s32 @!p0 $0xFFFFF086;
	s6 =	sadd.s32 @!p0 s3, s7;
	s7 =	simm.s32 @!p0 $0x108  }
0x21: {  	s3 =	sadd.s32 s3, s9;
	s6 =	sadd.s32 @!p0 $0x88, s6;
	s7 =	simm.s32 @p2 $0x1082  }
0x22: {  	[simem:s7], [sflag:s8] =	dma.local @!p0 [hbm:s6], $0xF7A  }
0x23: {  	s9 =	sor.u32 $0xD0000000, s2;
	s6 =	simm.s32 $0x108;
	_ =	swait.ge @!p0 [sflag:s8], $0x0  }
0x24: {  	s3 =	sadd.s32 $0x88, s3;
	s6 =	simm.s32 @!p1 $0x1082;
	[sflag:s4] =	ssyncset.s32 $0xFFFFF086  }
0x25: {  	[simem:s6], [sflag:s4] =	dma.local [hbm:s3], $0xF7A  }
0x26: {  	[smem:$0x3F9F] =	sst s1;
	(tag) =	ssettag s2;
	_ =	strace s9  }
0x27: {  	s1 =	sld [smem:$0x3FAF]  }
0x28: {  	s2 =	sld [smem:$0x3FB0]  }
0x29: {  	s4 =	sld [smem:$0x3FB2]  }
0x2a: {  	p0 =	seq.s32 s5, $0x0;
	s5 =	sld [smem:$0x3FB3]  }
0x2b: {  	s6 =	sld [smem:$0x3FB4]  }
0x2c: {  	s7 =	sld [smem:$0x3FB5]  }
0x2d: {  	s3 =	simm.s32 $0x108;
	s8 =	sld [smem:$0x3FB6]  }
0x2e: {  	s3 =	simm.s32 @!p0 $0x1082;
	s9 =	sld [smem:$0x3FB7]  }
0x2f: {  	lr =	sadd.s32 s0, s3;
	s0 =	sld [smem:$0x3FAE]  }
0x30: {  	s3 =	sld [smem:$0x3FB1]  }
0x31: {  	[smem:$0x3FBA] =	sst s10  }
0x32: {  	s10 =	sld [smem:$0x3FB8];
	_ =	sdelay $0x3  }
0x33: {  	p0 =	seq.s32 s10, $0x1;
	s10 =	sld [smem:$0x3FBA];
	_ =	sdelay $0x3  }
0x34: {  	[smem:$0x3FBA] =	sst s10  }
0x35: {  	s10 =	sld [smem:$0x3FB9];
	_ =	sdelay $0x3  }
0x36: {  	p1 =	seq.s32 s10, $0x1;
	s10 =	sld [smem:$0x3FBA];
	_ =	sdelay $0x3  }
0x37: {  	[smem:$0x3FBA] =	sst s10  }
0x38: {  	s10 =	sld [smem:$0x3FBB]  }
0x39: {  	_ = 	snop;
	(pc) =	sbr.ind lr, $3  }
0x3a: {  	_ = 	snop  }
0x3b: {  	_ = 	snop  }
0x3c: {  	p2 =	seq.s32 s10, $0x1;
	s10 =	sld [smem:$0x3FBA]  }
0x3d: {  	_ =	shalt  }
0x3e: {  	_ =	shalt  }
0x3f: {  	_ =	shalt  }
0x40: {  	_ =	shalt  }
0x41: {  	_ =	shalt  }
0x42: {  	_ =	shalt  }
0x43: {  	_ =	shalt  }
0x44: {  	_ =	shalt  }
0x45: {  	_ =	shalt  }
0x46: {  	_ =	shalt  }
0x47: {  	_ =	shalt  }
0x48: {  	_ =	shalt  }
0x49: {  	_ =	shalt  }
0x4a: {  	_ =	shalt  }
0x4b: {  	_ =	shalt  }
0x4c: {  	_ =	shalt  }
0x4d: {  	_ =	shalt  }
0x4e: {  	_ =	shalt  }
0x4f: {  	_ =	shalt  }
0x50: {  	_ =	shalt  }
0x51: {  	_ =	shalt  }
0x52: {  	_ =	shalt  }
0x53: {  	_ =	shalt  }
0x54: {  	_ =	shalt  }
0x55: {  	_ =	shalt  }
0x56: {  	_ =	shalt  }
0x57: {  	_ =	shalt  }
0x58: {  	_ =	shalt  }
0x59: {  	_ =	shalt  }
0x5a: {  	_ =	shalt  }
0x5b: {  	_ =	shalt  }
0x5c: {  	_ =	shalt  }
0x5d: {  	_ =	shalt  }
0x5e: {  	_ =	shalt  }
0x5f: {  	_ =	shalt  }
0x60: {  	_ =	shalt  }
0x61: {  	_ =	shalt  }
0x62: {  	_ =	shalt  }
0x63: {  	_ =	shalt  }
0x64: {  	_ =	shalt  }
0x65: {  	_ =	shalt  }
0x66: {  	_ =	shalt  }
0x67: {  	_ =	shalt  }
0x68: {  	_ =	shalt  }
0x69: {  	_ =	shalt  }
0x6a: {  	_ =	shalt  }
0x6b: {  	_ =	shalt  }
0x6c: {  	_ =	shalt  }
0x6d: {  	_ =	shalt  }
0x6e: {  	_ =	shalt  }
0x6f: {  	_ =	shalt  }
0x70: {  	_ =	shalt  }
0x71: {  	_ =	shalt  }
0x72: {  	_ =	shalt  }
0x73: {  	_ =	shalt  }
0x74: {  	_ =	shalt  }
0x75: {  	_ =	shalt  }
0x76: {  	_ =	shalt  }
0x77: {  	_ =	shalt  }
0x78: {  	_ =	shalt  }
0x79: {  	_ =	shalt  }
0x7a: {  	_ =	shalt  }
0x7b: {  	_ =	shalt  }
0x7c: {  	_ =	shalt  }
0x7d: {  	_ =	shalt  }
0x7e: {  	_ =	shalt  }
0x7f: {  	_ =	shalt  }
0x80: {  	_ =	shalt  }
0x81: {  	_ =	shalt  }
0x82: {  	_ =	shalt  }
0x83: {  	_ =	shalt  }
0x84: {  	_ =	shalt  }
0x85: {  	_ =	shalt  }
0x86: {  	_ =	shalt  }
0x87: {  	_ =	shalt  }
.Lfunc_end0:
.L_simem_size_0:
called_computation_lowered:
.L_overlay_start_0:
0x88: {  	s2 =	sld [smem:$0x3FD9]  }
0x89: {  	s3 =	sld [smem:$0x3FFE];
	_ =	sdelay $0x1  }
0x8a: {  	s1 =	srdreg.scid  }
0x8b: {  	s0 =	sand.u32 $0x1, s1  }
0x8c: {  	s17 =	sshll.u32 s0, $0xA;
	s2 =	sadd.s32 s3, s2  }
0x8d: {  	s2 =	sadd.s32 s2, s17  }
0x8e: {  	[smem:$0x3FC6] =	sst s2  }
0x8f: {  	_ = 	snop  }
0x90: {  	s2 =	sld [smem:$0x3FD0];
	(tm) =	ssettm $0x1  }
0x91: {  	s18 =	sld [smem:$0x3FFB];
	_ =	sdelay $0x3  }
0x92: {  	_ =	strace s18  }
0x93: {  	s3 =	sld [smem:$0x3FFC];
	_ =	sdelay $0x3  }
0x94: {  	_ =	strace s3  }
0x95: {  	s3 =	sld [smem:$0x3FFD];
	_ =	sdelay $0x3  }
0x96: {  	_ =	strace s3  }
0x97: {  	_ =	strace $0x8FFFFFFF  }
0x98: {  	s19 =	sld [smem:$0x3FDB];
	_ =	sdelay $0x1  }
0x99: {  	s4 =	simm.s32 $_scs_section_size  }
0x9a: {  	s5 =	simm.s32 $_size__tile_overlayer_lowered;
	s6 =	simm.s32 $_tile_overlayer_lowered  }
0x9b: {  	s22 =	simm.s32 $0x1BFF;
	s21 =	sshll.u32 s6, $0x1;
	s3 =	sadd.s32 s4, s19  }
0x9c: {  	s7 =	simm.s32 $0x0;
	s20 =	sshll.u32 s5, $0x1;
	s5 =	sadd.s32 s21, s3  }
0x9d: {  	[timem:s7], [sflag:s22] =	dma.local [hbm:s5], s20  }
0x9e: {  	_ =	swait.ge [sflag:s22], s20  }
0x9f: {  	s4 =	ssub.s32 $0x0, s20;
	[sflag:s22] =	ssyncset.done $0x0  }
0xa0: {  	[sflag:s22] =	ssyncadd.s32 s4;
	_ =	sdelay $0x1  }
0xa1: {  	s23 =	simm.s32 $0x1B8B  }
0xa2: {  	_ =	swait.ge [sflag:s23], $0x1  }
0xa3: {  	[sflag:s23] =	ssyncset.done $0x0  }
0xa4: {  	s25 =	simm.s32 $0x1B8E;
	s24 =	sld [smem:$0x3FFE];
	[sflag:s23] =	ssyncadd.s32 $0xFFFFFFFF  }
0xa5: {  	s26 =	simm.s32 $execute0_lowered;
	[smem:$0x3FD2] =	sst s25  }
0xa6: {  	s5 =	sshll.u32 s26, $0x1;
	_ =	strace $0x80000046;
	[dreg:$0x1] =	wrdreg $0xFFFFFFFF  }
0xa7: {  	s28 =	simm.s32 $_size_execute0_lowered;
	s3 =	sadd.s32 s3, s5;
	[dreg:$0x0] =	wrdreg $0x0  }
0xa8: {  	s5 =	sshll.u32 s28, $0x1;
	[dreg:$0x2] =	wrdreg s3  }
0xa9: {  	[dreg:$0x3] =	wrdreg s5  }
0xaa: {  	[dreg:$0x4] =	wrdreg $0xC0  }
0xab: {  	_ =	task [dreg:s7], $0x5FFFF  }
0xac: {  	[dreg:$0x1] =	wrdreg $0xFFFFFFFF  }
0xad: {  	[dreg:$0x0] =	wrdreg $0x60  }
0xae: {  	[dreg:$0x2] =	wrdreg s24  }
0xaf: {  	[dreg:$0x3] =	wrdreg s2  }
0xb0: {  	[dreg:$0x4] =	wrdreg $0x9  }
0xb1: {  	_ =	task.clear_ibuf [dreg:s7], $0x5FFFF;
	_ =	strace $0x90000046  }
0xb2: {  	s29 =	simm.s32 $0x9;
	_ =	strace $0x80000048  }
0xb3: {  	_ =	swait.ge [sflag:s29], $0x1  }
0xb4: {  	[sflag:s29] =	ssyncadd.s32 $0xFFFFFFFF  }
0xb5: {  	_ =	strace $0x90000048  }
0xb6: {  	_ =	sfence  }
0xb7: {  	s30 =	sld [smem:$0x0];
	_ =	sdelay $0x2  }
0xb8: {  	s31 =	sshll.u32 s1, $0xD;
	s1 =	sshrl.u32 s1, $0x2  }
0xb9: {  	s3 =	sand.u32 $0x4000, s31;
	s1 =	sadd.s32 s1, s30  }
0xba: {  	s0 =	sor.u32 s3, s0;
	s1 =	sshll.u32 s1, $0x11  }
0xbb: {  	s0 =	sor.u32 s1, s0  }
0xbc: {  	s0 =	sadd.s32 $0x8F2B, s0  }
0xbd: {  	[sflag:s0] =	ssyncadd.remote.s32 $0x1  }
0xbe: {  	_ =	sfence.sel $0xFFFF  }
0xbf: {  	[dreg:$0x0] =	wrdreg $0xFFFFFFFF;
	(pc) =	sbr.abs _section_cstart, $3  }
0xc0: {  	[dreg:$0x1] =	wrdreg $0xFFFFFFFF  }
0xc1: {  	_ =	task.clear_ibuf [dreg:s7], $0x2FFFF;
	_ =	strace $0x9FFFFFFF  }
0xc2: {  	(tm) =	ssettm $0x7FFFFFFF  }
0xc3: {  	_ =	shalt  }
tec
execute0_lowered:
.L_overlay_start_1:
0x0: {  	(tag) =	ssettag $0x1  }
0x1: {  	s4 =	rddreg [dreg:$0x0];
	s1 =	srdreg.scid  }
0x2: {  	s0 =	stileid.u32;
	s7 =	rddreg [dreg:$0x1]  }
0x3: {  	s2 =	simm.s32 $0x0;
	s13 =	simm.s32 $0x3800;
	s14 =	simm.s32 $0x1  }
0x4: {  	s15 =	simm.s32 $0x2;
	s16 =	simm.s32 $0x3;
	s10 =	smul.u32 $0x5000, s0  }
0x5: {  	s17 =	simm.s32 $0x4;
	s5 =	sand.u32 $0x1, s1;
	s29 =	smul.u32 $0x14000, s0  }
0x6: {  	s18 =	simm.s32 $0x0;
	s3 =	sshll.u32 s0, $0x1;
	s12 =	smul.u32 $0x2800, s5  }
0x7: {  	s1 =	rddreg [dreg:$0x2];
	s3 =	sor.u32 s5, s3;
	s30 =	smul.u32 $0xA000, s5  }
0x8: {  	[smem:$0x7FF] =	sst s2;
	s9 =	ssub.s32 $0x2, s5;
	s6 =	smul.u32 $0x2800, s3  }
0x9: {  	_ =	strace $0x80000047;
	s8 =	smul.u32 $0xA000, s3;
	s11 =	sshrl.u32 s9, $0x1  }
0xa: {  	s3 =	sadd.s32 $0xA400, s4;
	s28 =	ssub.s32 s9, s11;
	s10 =	sadd.s32 s12, s10  }
0xb: {  	s9 =	sadd.s32 s29, s7;
	s11 =	simm.s32 $0x80;
	s12 =	simm.s32 $0x2800  }
0xc: {  	s6 =	sshrl.u32 s6, $0x3;
	s5 =	smax.u32 s28, $0x1;
	s10 =	sshll.u32 s10, $0x2  }
0xd: {  	s9 =	sadd.s32 s30, s9;
	s4 =	sadd.s32 s6, s4;
	s6 =	sadd.s32 s7, s8  }
0xe: {  	s31 =	sadd.s32 s10, s7;
	s9 =	sadd.s32 $0x400, s9;
	s10 =	simm.s32 $0x5  }
0xf: {  	s4 =	sadd.s32 $0x400, s4;
	s7 =	sadd.s32 $0x200, s6;
	s8 =	sadd.s32 $0x600, s31  }
.LBB2_1:
0x10: {  	[tilespmem:s2], [sflag:$0x5] =	stream.linear.gather [hbm4b:s4+s2], $0x2800, $0x38;
	[tilespmem:$0x4800] =	vst v63  }
0x11: {  	_ =	swait.ge [sflag:s10], $0x2800  }
0x12: {  	[sflag:s10] =	ssyncset.done $0x0  }
0x13: {  	[sflag:s10] =	ssyncadd.s32 $0xFFFFD800  }
0x14: {  	[tilespmem:s12], [sflag:$0x1] =	stream.indirect.gather [hbm4b:s3+s11], $0x20, s2, s11, $0xb8;
	[tilespmem:$0x4800] =	vst v63  }
0x15: {  	_ = 	snop  }
0x16: {  	[tilespmem:s13], [sflag:$0x2] =	stream.indirect.gather [hbm4b:s3+s11], $0x20, s11, s11, $0xb8;
	[tilespmem:$0x4800] =	vst v63  }
0x17: {  	_ =	swait.ge [sflag:s14], $0x1000  }
0x18: {  	[sflag:s14] =	ssyncset.done $0x0  }
0x19: {  	[sflag:s14] =	ssyncadd.s32 $0xFFFFF000  }
0x1a: {  	[hbm4b:s6+s2] =	stream.linear.scatter [tilespmem:s12], [sflag:$0x3], $0x1000, $0x38;
	[tilespmem:$0x4800] =	vst v63  }
0x1b: {  	_ =	swait.ge [sflag:s15], $0x1000  }
0x1c: {  	[sflag:s15] =	ssyncset.done $0x0  }
0x1d: {  	[sflag:s15] =	ssyncadd.s32 $0xFFFFF000  }
0x1e: {  	[hbm4b:s7+s2] =	stream.linear.scatter [tilespmem:s13], [sflag:$0x4], $0x1000, $0x38;
	[tilespmem:$0x4800] =	vst v63  }
0x1f: {  	_ =	swait.ge [sflag:s16], $0x1000  }
0x20: {  	[sflag:s16] =	ssyncset.done $0x0  }
0x21: {  	[sflag:s16] =	ssyncadd.s32 $0xFFFFF000  }
0x22: {  	_ =	swait.ge [sflag:s17], $0x1000  }
0x23: {  	[sflag:s17] =	ssyncset.done $0x0  }
0x24: {  	s19 =	simm.s32 $0x100;
	[sflag:s17] =	ssyncadd.s32 $0xFFFFF000  }
0x25: {  	[tilespmem:s12], [sflag:$0x1] =	stream.indirect.gather [hbm4b:s3+s11], $0x20, s19, s11, $0xb8;
	[tilespmem:$0x4800] =	vst v63  }
0x26: {  	s30 =	simm.s32 $0x180  }
0x27: {  	[tilespmem:s13], [sflag:$0x2] =	stream.indirect.gather [hbm4b:s3+s11], $0x20, s30, s11, $0xb8;
	[tilespmem:$0x4800] =	vst v63  }
0x28: {  	_ =	swait.ge [sflag:s14], $0x1000  }
0x29: {  	[sflag:s14] =	ssyncset.done $0x0  }
0x2a: {  	s31 =	sadd.s32 $0x0, s9;
	[sflag:s14] =	ssyncadd.s32 $0xFFFFF000  }
0x2b: {  	[hbm4b:s31+s2] =	stream.linear.scatter [tilespmem:s12], [sflag:$0x3], $0x1000, $0x38;
	[tilespmem:$0x4800] =	vst v63  }
0x2c: {  	_ =	swait.ge [sflag:s15], $0x1000  }
0x2d: {  	[sflag:s15] =	ssyncset.done $0x0  }
0x2e: {  	s20 =	sadd.s32 $0x0, s8;
	s19 =	simm.s32 $0x400;
	[sflag:s15] =	ssyncadd.s32 $0xFFFFF000  }
.LBB2_2:
0x2f: {  	[hbm4b:s20+s2] =	stream.linear.scatter [tilespmem:s13], [sflag:$0x4], $0x1000, $0x38;
	[tilespmem:$0x4800] =	vst v63  }
0x30: {  	s20 =	smov.u32 s19  }
0x31: {  	p0 =	sne.s32 s19, $0x9800;
	s19 =	sadd.s32 $0x400, s19;
	_ =	swait.ge [sflag:s16], $0x1000  }
0x32: {  	[sflag:s16] =	ssyncset.done $0x0  }
0x33: {  	[sflag:s16] =	ssyncadd.s32 $0xFFFFF000  }
0x34: {  	_ =	swait.ge [sflag:s17], $0x1000  }
0x35: {  	s21 =	sshra.s32 s20, $0x2;
	[sflag:s17] =	ssyncset.done $0x0  }
0x36: {  	s22 =	sadd.s32 $0x100, s21;
	[sflag:s17] =	ssyncadd.s32 $0xFFFFF000  }
0x37: {  	[tilespmem:s12], [sflag:$0x1] =	stream.indirect.gather [hbm4b:s3+s11], $0x20, s22, s11, $0xb8;
	[tilespmem:$0x4800] =	vst v63  }
0x38: {  	s21 =	sadd.s32 $0x180, s21  }
0x39: {  	[tilespmem:s13], [sflag:$0x2] =	stream.indirect.gather [hbm4b:s3+s11], $0x20, s21, s11, $0xb8;
	[tilespmem:$0x4800] =	vst v63  }
0x3a: {  	_ =	swait.ge [sflag:s14], $0x1000  }
0x3b: {  	[sflag:s14] =	ssyncset.done $0x0  }
.Ltmp0:
0x3c: {  	s21 =	sadd.s32 s20, s9;
	[sflag:s14] =	ssyncadd.s32 $0xFFFFF000;
	(pc) =	sbr.rel @p0 .LBB2_2-.Ltmp0, $4  }
0x3d: {  	[hbm4b:s21+s2] =	stream.linear.scatter [tilespmem:s12], [sflag:$0x3], $0x1000, $0x38;
	[tilespmem:$0x4800] =	vst v63  }
0x3e: {  	_ =	swait.ge [sflag:s15], $0x1000  }
0x3f: {  	[sflag:s15] =	ssyncset.done $0x0  }
0x40: {  	s20 =	sadd.s32 s20, s8;
	[sflag:s15] =	ssyncadd.s32 $0xFFFFF000  }
0x41: {  	[hbm4b:s20+s2] =	stream.linear.scatter [tilespmem:s13], [sflag:$0x4], $0x1000, $0x38;
	[tilespmem:$0x4800] =	vst v63  }
0x42: {  	s18 =	sadd.s32 $0x1, s18  }
0x43: {  	_ =	swait.ge [sflag:s16], $0x1000;
	p0 =	sne.s32 s18, s5  }
.Ltmp1:
0x44: {  	[sflag:s16] =	ssyncset.done $0x0;
	(pc) =	sbr.rel @p0 .LBB2_1-.Ltmp1, $4  }
0x45: {  	[sflag:s16] =	ssyncadd.s32 $0xFFFFF000  }
0x46: {  	_ =	swait.ge [sflag:s17], $0x1000  }
0x47: {  	[sflag:s17] =	ssyncset.done $0x0  }
0x48: {  	[sflag:s17] =	ssyncadd.s32 $0xFFFFF000  }
0x49: {  	_ =	sfence.sel $0x180000  }
0x4a: {  	[bflag:$0x0] =	sbarrier.arrive $0xFFFF  }
0x4b: {  	p0 =	sne.s32 s0, $0x0;
	_ =	strace $0x90000047  }
0x4c: {  	s0 =	sadd.s32 @!p0 $0x100000, s1;
	[bflag:$0x2] =	sbarrier.arrive $0xFFFF  }
0x4d: {  	[sflag:s0] =	ssyncadd.tile.s32 @!p0 $0x1;
	_ =	shalt  }
.Lfunc_end2:
_tile_overlayer_lowered:
.L_overlay_start_2:
0x4e: {  	(tag) =	ssettag $0x2  }
0x4f: {  	s0 =	rddreg [dreg:$0x0];
	s2 =	stileid.u32  }
0x50: {  	s1 =	rddreg [dreg:$0x1];
	p0 =	sne.s32 s2, $0x0  }
0x51: {  	s3 =	rddreg [dreg:$0x2];
	[bflag:$0x3] =	sbarrier.arrive $0xFFFF;
	s2 =	simm.s32 @!p0 $0x1C05  }
0x52: {  	[timem:s3], [sflag:s2] =	dma.local @!p0 [hbm:s0], s1  }
0x53: {  	s0 =	simm.s32 @!p0 $0x5  }
0x54: {  	_ =	swait.ge @!p0 [sflag:s0], s1  }
0x55: {  	s1 =	ssub.s32 @!p0 $0x0, s1;
	[sflag:s0] =	ssyncset.done @!p0 $0x0  }
0x56: {  	[sflag:s0] =	ssyncadd.s32 @!p0 s1  }
0x57: {  	[bflag:$0x3] =	sbarrier.arrive $0xFFFF  }
0x58: {  	_ =	shalt  }

</sc_bundles>
